<compile_context>
chip_gen: v7x
topology: tpu7x:2x2x1
jax: 0.10.2.dev20260603
libtpu: 0.0.44.dev20260713+nightly
codegen_flags: <defaults>
</compile_context>

<pallas_src>
import functools

import jax
import jax.numpy as jnp
from jax import lax
from jax.experimental import pallas as pl
from jax.experimental.pallas import tpu as pltpu
from jax.experimental.pallas import tpu_sc as plsc

_BS, _LEN = 16384, 200
_N = _BS * _LEN
_V = 10000
_NC, _NS, _L = 2, 16, 16
_NW = _NC * _NS
_PER_W = _N // _NW
_C = 4096
_CHUNKS = _PER_W // _C


def _proj_body(emb_ref, w_ref, b_ref, p_ref):
    p = lax.dot_general(emb_ref[...], w_ref[...], (((1,), (1,)), ((), ())),
                        preferred_element_type=jnp.float32)
    p_ref[...] = p + b_ref[...]


def _project_table(emb, W, b):
    return pl.pallas_call(
        _proj_body,
        out_shape=jax.ShapeDtypeStruct((_V, 2), jnp.float32),
    )(emb, W, b.reshape(1, 2))


_MESH = plsc.VectorSubcoreMesh(core_axis_name="c", subcore_axis_name="s",
                               num_cores=_NC, num_subcores=_NS)


@functools.partial(
    pl.kernel,
    out_type=jax.ShapeDtypeStruct((_N * 2,), jnp.float32),
    mesh=_MESH,
    compiler_params=pltpu.CompilerParams(needs_layout_passes=False),
    scratch_types=[
        pltpu.VMEM((_V * 2,), jnp.float32),
        pltpu.VMEM((_C,), jnp.int32),
        pltpu.VMEM((_C * 2,), jnp.float32),
    ],
)
def _lookup(p_hbm, idx_hbm, out_hbm, p_v, idx_v, out_v):
    wid = lax.axis_index("s") * _NC + lax.axis_index("c")
    pltpu.sync_copy(p_hbm, p_v)
    iota2 = lax.iota(jnp.int32, _L) * 2
    base = wid * _PER_W

    def chunk_body(c, carry):
        off = base + c * _C
        pltpu.sync_copy(idx_hbm.at[pl.ds(off, _C)], idx_v)

        def vec_body(i, carry2):
            ids = idx_v[pl.ds(i * _L, _L)]
            ids2 = ids * 2
            v0 = plsc.load_gather(p_v, [ids2])
            v1 = plsc.load_gather(p_v, [ids2 + 1])
            pos = i * (2 * _L) + iota2
            plsc.store_scatter(out_v, [pos], v0)
            plsc.store_scatter(out_v, [pos + 1], v1)
            return carry2

        lax.fori_loop(0, _C // _L, vec_body, 0)
        pltpu.sync_copy(out_v, out_hbm.at[pl.ds(off * 2, _C * 2)])
        return carry

    lax.fori_loop(0, _CHUNKS, chunk_body, 0)


def kernel(x, emb, W, b):
    p = _project_table(emb, W, b)
    xf = x.reshape(_N).astype(jnp.int32)
    out = _lookup(p.reshape(_V * 2), xf)
    return out.reshape(_BS, _LEN, 2)

# --- scband reference (transcript-rebuilt; emitter-appended) ---
"""Pipeline reference for scband-lstm-25812753449674 (READ-ONLY COPY).

The authoritative reference and input builder live on the scoring server;
editing this copy changes nothing except your own understanding.
"""

import jax, jax.numpy as jnp
import numpy as np

MAX_WORDS = 10000
EMB_SIZE = 128
NUM_CLASSES = 2

def setup_inputs(seed: int = 0) -> dict:
    key = jax.random.key(seed)
    k1, k2, k3, k4 = jax.random.split(key, 4)
    x = jax.random.randint(k1, (16384, 200), 0, MAX_WORDS, dtype=jnp.int64 if jax.config.jax_enable_x64 else jnp.int32)
    emb = jax.random.normal(k2, (MAX_WORDS, EMB_SIZE), dtype=jnp.float32)
    # fc2: Linear(emb_size, 2) -> W: [2, emb_size], b: [2]
    W = jax.random.normal(k3, (NUM_CLASSES, EMB_SIZE), dtype=jnp.float32) * (1.0 / np.sqrt(EMB_SIZE))
    b = jax.random.normal(k4, (NUM_CLASSES,), dtype=jnp.float32) * 0.01
    return {"x": x, "emb": emb, "W": W, "b": b}

def reference(x, emb, W, b):
    # Embedding lookup: [bs, maxlen] -> [bs, maxlen, emb_size]
    e = jnp.take(emb, x, axis=0)
    # fc2: [bs, maxlen, emb_size] -> [bs, maxlen, 2]
    out = jnp.einsum('bld,cd->blc', e, W) + b
    return out

if __name__ == "__main__":
    import jax
    _d = setup_inputs()
    print(jax.jit(kernel)(*tuple(_d.values())))

</pallas_src>

<mosaic_0001>
#map = affine_map<(d0, d1) -> (0)>
module attributes {stable_mosaic.version = 14 : i64} {
  func.func @_lookup(%arg0: i32, %arg1: i32, %arg2: memref<20000xf32, #tpu.memory_space<hbm>>, %arg3: memref<3276800xi32, #tpu.memory_space<hbm>>, %arg4: memref<6553600xf32, #tpu.memory_space<hbm>>, %arg5: memref<20000xf32, #tpu.memory_space<vmem>>, %arg6: memref<4096xi32, #tpu.memory_space<vmem>>, %arg7: memref<8192xf32, #tpu.memory_space<vmem>>) attributes {dimension_semantics = [#tpu.dimension_semantics<core_parallel>, #tpu.dimension_semantics<subcore_parallel>], iteration_bounds = array<i64: 2, 16>, scalar_prefetch = 0 : i64, scratch_operands = 3 : i64, tpu.core_type = #tpu.core_type<sc_vector_subcore>, window_params = [{transform_indices = #map}, {transform_indices = #map}, {transform_indices = #map}]} {
    %mul3A = arith.constant 2 : i32
    %mul3A_0 = arith.muli %arg1, %mul3A : i32
    %add3A = arith.addi %mul3A_0, %arg0 : i32
    "tpu.region"() ({
      %run_scoped3A = tpu.sem_alloc : memref<!tpu.dma_semaphore, #tpu.memory_space<semaphore_mem>>
      tpu.enqueue_dma source(%arg2 : memref<20000xf32, #tpu.memory_space<hbm>>) target(%arg5 : memref<20000xf32, #tpu.memory_space<vmem>>) target_semaphore(%run_scoped3A : memref<!tpu.dma_semaphore, #tpu.memory_space<semaphore_mem>>)
      tpu.wait_dma2 semaphore(%run_scoped3A : memref<!tpu.dma_semaphore, #tpu.memory_space<semaphore_mem>>) src(%arg2 : memref<20000xf32, #tpu.memory_space<hbm>>) dst(%arg5 : memref<20000xf32, #tpu.memory_space<vmem>>)
      tpu.yield
    }) : () -> ()
    %iota3A = tpu.iota {dimensions = array<i32: 0>} : vector<16xi32>
    %mul3A_1 = arith.constant 2 : i32
    %mul3A_2 = vector.broadcast %mul3A_1 : i32 to vector<16xi32>
    %mul3A_3 = arith.muli %iota3A, %mul3A_2 : vector<16xi32>
    %mul3A_4 = arith.constant 102400 : i32
    %mul3A_5 = arith.muli %add3A, %mul3A_4 : i32
    %scan3A = arith.constant 0 : i32
    %scan3A_6 = arith.constant 0 : i32
    %scan3A_7 = arith.constant 25 : i32
    %scan3A_8 = arith.addi %scan3A_6, %scan3A_7 : i32
    %scan3A_9 = arith.constant 1 : i32
    scf.for %scan3A_11 = %scan3A_6 to %scan3A_8 step %scan3A_9  : i32 {
      %mul3A_12 = arith.constant 4096 : i32
      %mul3A_13 = arith.muli %scan3A_11, %mul3A_12 : i32
      %add3A_14 = arith.addi %mul3A_5, %mul3A_13 : i32
      "tpu.region"() ({
        %run_scoped3A = tpu.sem_alloc : memref<!tpu.dma_semaphore, #tpu.memory_space<semaphore_mem>>
        %dma_start3A = tpu.memref_slice %arg3[%add3A_14] : memref<3276800xi32, #tpu.memory_space<hbm>> -> memref<4096xi32, #tpu.memory_space<hbm>>
        %dma_start3A_23 = tpu.memref_slice %arg3[%add3A_14] : memref<3276800xi32, #tpu.memory_space<hbm>> -> memref<4096xi32, #tpu.memory_space<hbm>>
        tpu.enqueue_dma source(%dma_start3A_23 : memref<4096xi32, #tpu.memory_space<hbm>>) target(%arg6 : memref<4096xi32, #tpu.memory_space<vmem>>) target_semaphore(%run_scoped3A : memref<!tpu.dma_semaphore, #tpu.memory_space<semaphore_mem>>)
        %dma_wait3A = tpu.memref_slice %arg3[%add3A_14] : memref<3276800xi32, #tpu.memory_space<hbm>> -> memref<4096xi32, #tpu.memory_space<hbm>>
        %dma_wait3A_24 = tpu.memref_slice %arg3[%add3A_14] : memref<3276800xi32, #tpu.memory_space<hbm>> -> memref<4096xi32, #tpu.memory_space<hbm>>
        tpu.wait_dma2 semaphore(%run_scoped3A : memref<!tpu.dma_semaphore, #tpu.memory_space<semaphore_mem>>) src(%dma_wait3A_24 : memref<4096xi32, #tpu.memory_space<hbm>>) dst(%arg6 : memref<4096xi32, #tpu.memory_space<vmem>>)
        tpu.yield
      }) : () -> ()
      %scan3A_15 = arith.constant 0 : i32
      %scan3A_16 = arith.constant 0 : i32
      %scan3A_17 = arith.constant 256 : i32
      %scan3A_18 = arith.addi %scan3A_16, %scan3A_17 : i32
      %scan3A_19 = arith.constant 1 : i32
      scf.for %scan3A_23 = %scan3A_16 to %scan3A_18 step %scan3A_19  : i32 {
        %mul3A_24 = arith.constant 16 : i32
        %mul3A_25 = arith.muli %scan3A_23, %mul3A_24 : i32
        %get3A = arith.index_cast %mul3A_25 : i32 to index
        %get3A_26 = tpu.vector_load %arg6[%get3A] {strides = array<i32>} : memref<4096xi32, #tpu.memory_space<vmem>>, vector<16xi32>,
        %mul3A_27 = arith.constant 2 : i32
        %mul3A_28 = vector.broadcast %mul3A_27 : i32 to vector<16xi32>
        %mul3A_29 = arith.muli %get3A_26, %mul3A_28 : vector<16xi32>
        %gather3A = tpu.vector_load_idx %arg5[%mul3A_29] : memref<20000xf32, #tpu.memory_space<vmem>>[vector<16xi32>], vector<16xf32>,
        %add3A_30 = arith.constant 1 : i32
        %add3A_31 = vector.broadcast %add3A_30 : i32 to vector<16xi32>
        %add3A_32 = arith.addi %mul3A_29, %add3A_31 : vector<16xi32>
        %gather3A_33 = tpu.vector_load_idx %arg5[%add3A_32] : memref<20000xf32, #tpu.memory_space<vmem>>[vector<16xi32>], vector<16xf32>,
        %mul3A_34 = arith.constant 32 : i32
        %mul3A_35 = arith.muli %scan3A_23, %mul3A_34 : i32
        %add3A_36 = vector.broadcast %mul3A_35 : i32 to vector<16xi32>
        %add3A_37 = arith.addi %add3A_36, %mul3A_3 : vector<16xi32>
        tpu.vector_store_idx %arg7[%add3A_37], %gather3A : memref<8192xf32, #tpu.memory_space<vmem>>[vector<16xi32>], vector<16xf32>,
        %add3A_38 = arith.constant 1 : i32
        %add3A_39 = vector.broadcast %add3A_38 : i32 to vector<16xi32>
        %add3A_40 = arith.addi %add3A_37, %add3A_39 : vector<16xi32>
        tpu.vector_store_idx %arg7[%add3A_40], %gather3A_33 : memref<8192xf32, #tpu.memory_space<vmem>>[vector<16xi32>], vector<16xf32>,
      }
      %scan3A_20 = arith.constant 256 : i32
      %mul3A_21 = arith.constant 2 : i32
      %mul3A_22 = arith.muli %add3A_14, %mul3A_21 : i32
      "tpu.region"() ({
        %run_scoped3A = tpu.sem_alloc : memref<!tpu.dma_semaphore, #tpu.memory_space<semaphore_mem>>
        %dma_start3A = tpu.memref_slice %arg4[%mul3A_22] : memref<6553600xf32, #tpu.memory_space<hbm>> -> memref<8192xf32, #tpu.memory_space<hbm>>
        %dma_start3A_23 = tpu.memref_slice %arg4[%mul3A_22] : memref<6553600xf32, #tpu.memory_space<hbm>> -> memref<8192xf32, #tpu.memory_space<hbm>>
        tpu.enqueue_dma source(%arg7 : memref<8192xf32, #tpu.memory_space<vmem>>) target(%dma_start3A_23 : memref<8192xf32, #tpu.memory_space<hbm>>) target_semaphore(%run_scoped3A : memref<!tpu.dma_semaphore, #tpu.memory_space<semaphore_mem>>)
        %dma_wait3A = tpu.memref_slice %arg4[%mul3A_22] : memref<6553600xf32, #tpu.memory_space<hbm>> -> memref<8192xf32, #tpu.memory_space<hbm>>
        %dma_wait3A_24 = tpu.memref_slice %arg4[%mul3A_22] : memref<6553600xf32, #tpu.memory_space<hbm>> -> memref<8192xf32, #tpu.memory_space<hbm>>
        tpu.wait_dma2 semaphore(%run_scoped3A : memref<!tpu.dma_semaphore, #tpu.memory_space<semaphore_mem>>) src(%arg7 : memref<8192xf32, #tpu.memory_space<vmem>>) dst(%dma_wait3A_24 : memref<8192xf32, #tpu.memory_space<hbm>>)
        tpu.yield
      }) : () -> ()
    }
    %scan3A_10 = arith.constant 25 : i32
    return
  }
}

module attributes {stable_mosaic.version = 14 : i64} {
  func.func @_proj_body(%arg0: memref<10000x128xf32, #tpu.memory_space<vmem>>, %arg1: memref<2x128xf32, #tpu.memory_space<vmem>>, %arg2: memref<1x2xf32, #tpu.memory_space<vmem>>, %arg3: memref<10000x2xf32, #tpu.memory_space<vmem>>) attributes {dimension_semantics = [], scalar_prefetch = 0 : i64, scratch_operands = 0 : i64, tpu.core_type = #tpu.core_type<tc>} {
    %get3A = arith.constant 0 : index
    %get3A_0 = arith.constant 0 : index
    %get3A_1 = vector.load %arg0[%get3A, %get3A_0] : memref<10000x128xf32, #tpu.memory_space<vmem>>, vector<10000x128xf32>
    %get3A_2 = arith.constant 0 : index
    %get3A_3 = arith.constant 0 : index
    %get3A_4 = vector.load %arg1[%get3A_2, %get3A_3] : memref<2x128xf32, #tpu.memory_space<vmem>>, vector<2x128xf32>
    %dot_general3A = arith.constant dense<0.000000e+00> : vector<10000x2xf32>
    %dot_general3A_5 = tpu.matmul %get3A_1, %get3A_4, %dot_general3A {dimension_numbers = #tpu.dot_dimension_numbers<[1], [1], [0], [0], [0, 0, 1, 0], [], []>, transpose_lhs_hint = false} : vector<10000x128xf32>, vector<2x128xf32>, vector<10000x2xf32> -> vector<10000x2xf32>
    %get3A_6 = arith.constant 0 : index
    %get3A_7 = arith.constant 0 : index
    %get3A_8 = vector.load %arg2[%get3A_6, %get3A_7] : memref<1x2xf32, #tpu.memory_space<vmem>>, vector<1x2xf32>
    %add3A = vector.broadcast %get3A_8 : vector<1x2xf32> to vector<10000x2xf32>
    %add3A_9 = arith.addf %dot_general3A_5, %add3A : vector<10000x2xf32>
    %swap3A = arith.constant 0 : index
    %swap3A_10 = arith.constant 0 : index
    %swap3A_11 = vector.load %arg3[%swap3A, %swap3A_10] : memref<10000x2xf32, #tpu.memory_space<vmem>>, vector<10000x2xf32>
    tpu.vector_store %arg3[%swap3A, %swap3A_10], %add3A_9 {strides = array<i32>} : memref<10000x2xf32, #tpu.memory_space<vmem>>, vector<10000x2xf32>,
    return
  }
}

</mosaic_0001>

<sc_bundles>
// kernel: kernel.4.cloned.1.call-start
scs
__scs_entry_jumppad:
0x0: {  	(pc) =	sbr.rel $0x88, $3  }
0x1: {  	(tag) =	ssettag $0x0;
	lr =	simm.s32 $0x1  }
0x2: {  	[smem:$0x3F9D] =	sst lr;
	_ =	strace $0xD0000000  }
0x3: {  	_ = 	snop  }
0x4: {  	_ = 	snop  }
0x5: {  	_ = 	snop  }
0x6: {  	_ = 	snop  }
0x7: {  	_ = 	snop  }
__scs_overlays_trampoline_lowered:
0x8: {  	[smem:$0x3FAC] =	sst s0  }
0x9: {  	[smem:$0x3FAD] =	sst s1  }
0xa: {  	[smem:$0x3FAE] =	sst s2  }
0xb: {  	[smem:$0x3FAF] =	sst s3  }
0xc: {  	[smem:$0x3FB0] =	sst s4  }
0xd: {  	[smem:$0x3FB1] =	sst s5  }
0xe: {  	[smem:$0x3FB2] =	sst s6  }
0xf: {  	[smem:$0x3FB3] =	sst s7  }
0x10: {  	[smem:$0x3FB4] =	sst s8  }
0x11: {  	[smem:$0x3FB5] =	sst s9;
	s0 =	simm.s32 @!p0 $0x0  }
0x12: {  	s1 =	sld [smem:$0x3F9B];
	s0 =	simm.s32 @p0 $0x1  }
0x13: {  	[smem:$0x3FB6] =	sst s0;
	s0 =	simm.s32 @!p1 $0x0  }
0x14: {  	s2 =	sld [smem:$0x3F9A];
	s0 =	simm.s32 @p1 $0x1  }
0x15: {  	[smem:$0x3FB7] =	sst s0;
	s0 =	simm.s32 @!p2 $0x0  }
0x16: {  	s3 =	sld [smem:$0x3FDB];
	s0 =	simm.s32 @p2 $0x1  }
0x17: {  	s4 =	simm.s32 $0x1BF5;
	[smem:$0x3FB9] =	sst s0  }
0x18: {  	s0 =	sld [smem:$0x3F9C];
	_ =	swait.ge [sflag:s4], $0x0  }
0x19: {  	s7 =	sld [smem:$0x3F9D]  }
0x1a: {  	s8 =	sadd.s32 $0xFFFFE003, lr  }
0x1b: {  	s9 =	sadd.s32 $0xFFFFFEF7, lr;
	s5 =	simm.s32 $0xFFFFFFFF;
	p2 =	slt.u32 s8, $0xFFFFF086  }
0x1c: {  	p1 =	slt.u32 s9, $0xF7A;
	s5 =	simm.s32 @!p2 $0x0  }
0x1d: {  	s5 =	simm.s32 @p1 $0x1;
	p0 =	seq.s32 s7, s2  }
0x1e: {  	s7 =	smul.u32 @!p0 $0xF7A, s2;
	p2 =	seq.s32 @!p0 s5, $0x0  }
0x1f: {  	s9 =	smul.u32 $0xF7A, s1;
	s8 =	simm.s32 @!p0 $0x1BF5;
	p2 =	por !p2, p0  }
0x20: {  	[sflag:s8] =	ssyncset.s32 @!p0 $0xFFFFF086;
	s6 =	sadd.s32 @!p0 s3, s7;
	s7 =	simm.s32 @!p0 $0x108  }
0x21: {  	s3 =	sadd.s32 s3, s9;
	s6 =	sadd.s32 @!p0 $0x88, s6;
	s7 =	simm.s32 @p2 $0x1082  }
0x22: {  	[simem:s7], [sflag:s8] =	dma.local @!p0 [hbm:s6], $0xF7A  }
0x23: {  	s9 =	sor.u32 $0xD0000000, s2;
	s6 =	simm.s32 $0x108;
	_ =	swait.ge @!p0 [sflag:s8], $0x0  }
0x24: {  	s3 =	sadd.s32 $0x88, s3;
	s6 =	simm.s32 @!p1 $0x1082;
	[sflag:s4] =	ssyncset.s32 $0xFFFFF086  }
0x25: {  	[simem:s6], [sflag:s4] =	dma.local [hbm:s3], $0xF7A  }
0x26: {  	[smem:$0x3F9D] =	sst s1;
	(tag) =	ssettag s2;
	_ =	strace s9  }
0x27: {  	s1 =	sld [smem:$0x3FAD]  }
0x28: {  	s2 =	sld [smem:$0x3FAE]  }
0x29: {  	s4 =	sld [smem:$0x3FB0]  }
0x2a: {  	p0 =	seq.s32 s5, $0x0;
	s5 =	sld [smem:$0x3FB1]  }
0x2b: {  	s6 =	sld [smem:$0x3FB2]  }
0x2c: {  	s7 =	sld [smem:$0x3FB3]  }
0x2d: {  	s3 =	simm.s32 $0x108;
	s8 =	sld [smem:$0x3FB4]  }
0x2e: {  	s3 =	simm.s32 @!p0 $0x1082;
	s9 =	sld [smem:$0x3FB5]  }
0x2f: {  	lr =	sadd.s32 s0, s3;
	s0 =	sld [smem:$0x3FAC]  }
0x30: {  	s3 =	sld [smem:$0x3FAF]  }
0x31: {  	[smem:$0x3FB8] =	sst s10  }
0x32: {  	s10 =	sld [smem:$0x3FB6];
	_ =	sdelay $0x3  }
0x33: {  	p0 =	seq.s32 s10, $0x1;
	s10 =	sld [smem:$0x3FB8];
	_ =	sdelay $0x3  }
0x34: {  	[smem:$0x3FB8] =	sst s10  }
0x35: {  	s10 =	sld [smem:$0x3FB7];
	_ =	sdelay $0x3  }
0x36: {  	p1 =	seq.s32 s10, $0x1;
	s10 =	sld [smem:$0x3FB8];
	_ =	sdelay $0x3  }
0x37: {  	[smem:$0x3FB8] =	sst s10  }
0x38: {  	s10 =	sld [smem:$0x3FB9]  }
0x39: {  	_ = 	snop;
	(pc) =	sbr.ind lr, $3  }
0x3a: {  	_ = 	snop  }
0x3b: {  	_ = 	snop  }
0x3c: {  	p2 =	seq.s32 s10, $0x1;
	s10 =	sld [smem:$0x3FB8]  }
0x3d: {  	_ =	shalt  }
0x3e: {  	_ =	shalt  }
0x3f: {  	_ =	shalt  }
0x40: {  	_ =	shalt  }
0x41: {  	_ =	shalt  }
0x42: {  	_ =	shalt  }
0x43: {  	_ =	shalt  }
0x44: {  	_ =	shalt  }
0x45: {  	_ =	shalt  }
0x46: {  	_ =	shalt  }
0x47: {  	_ =	shalt  }
0x48: {  	_ =	shalt  }
0x49: {  	_ =	shalt  }
0x4a: {  	_ =	shalt  }
0x4b: {  	_ =	shalt  }
0x4c: {  	_ =	shalt  }
0x4d: {  	_ =	shalt  }
0x4e: {  	_ =	shalt  }
0x4f: {  	_ =	shalt  }
0x50: {  	_ =	shalt  }
0x51: {  	_ =	shalt  }
0x52: {  	_ =	shalt  }
0x53: {  	_ =	shalt  }
0x54: {  	_ =	shalt  }
0x55: {  	_ =	shalt  }
0x56: {  	_ =	shalt  }
0x57: {  	_ =	shalt  }
0x58: {  	_ =	shalt  }
0x59: {  	_ =	shalt  }
0x5a: {  	_ =	shalt  }
0x5b: {  	_ =	shalt  }
0x5c: {  	_ =	shalt  }
0x5d: {  	_ =	shalt  }
0x5e: {  	_ =	shalt  }
0x5f: {  	_ =	shalt  }
0x60: {  	_ =	shalt  }
0x61: {  	_ =	shalt  }
0x62: {  	_ =	shalt  }
0x63: {  	_ =	shalt  }
0x64: {  	_ =	shalt  }
0x65: {  	_ =	shalt  }
0x66: {  	_ =	shalt  }
0x67: {  	_ =	shalt  }
0x68: {  	_ =	shalt  }
0x69: {  	_ =	shalt  }
0x6a: {  	_ =	shalt  }
0x6b: {  	_ =	shalt  }
0x6c: {  	_ =	shalt  }
0x6d: {  	_ =	shalt  }
0x6e: {  	_ =	shalt  }
0x6f: {  	_ =	shalt  }
0x70: {  	_ =	shalt  }
0x71: {  	_ =	shalt  }
0x72: {  	_ =	shalt  }
0x73: {  	_ =	shalt  }
0x74: {  	_ =	shalt  }
0x75: {  	_ =	shalt  }
0x76: {  	_ =	shalt  }
0x77: {  	_ =	shalt  }
0x78: {  	_ =	shalt  }
0x79: {  	_ =	shalt  }
0x7a: {  	_ =	shalt  }
0x7b: {  	_ =	shalt  }
0x7c: {  	_ =	shalt  }
0x7d: {  	_ =	shalt  }
0x7e: {  	_ =	shalt  }
0x7f: {  	_ =	shalt  }
0x80: {  	_ =	shalt  }
0x81: {  	_ =	shalt  }
0x82: {  	_ =	shalt  }
0x83: {  	_ =	shalt  }
0x84: {  	_ =	shalt  }
0x85: {  	_ =	shalt  }
0x86: {  	_ =	shalt  }
0x87: {  	_ =	shalt  }
.Lfunc_end0:
.L_simem_size_0:
called_computation_lowered:
.L_overlay_start_0:
0x88: {  	s2 =	sld [smem:$0x3FD9]  }
0x89: {  	s3 =	sld [smem:$0x3FFE];
	_ =	sdelay $0x1  }
0x8a: {  	s1 =	srdreg.scid  }
0x8b: {  	s0 =	sand.u32 $0x1, s1  }
0x8c: {  	s17 =	sshll.u32 s0, $0xA;
	s2 =	sadd.s32 s3, s2  }
0x8d: {  	s2 =	sadd.s32 s2, s17  }
0x8e: {  	[smem:$0x3FC4] =	sst s2  }
0x8f: {  	_ = 	snop  }
0x90: {  	s2 =	sld [smem:$0x3FD0];
	(tm) =	ssettm $0x1  }
0x91: {  	s18 =	sld [smem:$0x3FFB];
	_ =	sdelay $0x3  }
0x92: {  	_ =	strace s18  }
0x93: {  	s3 =	sld [smem:$0x3FFC];
	_ =	sdelay $0x3  }
0x94: {  	_ =	strace s3  }
0x95: {  	s3 =	sld [smem:$0x3FFD];
	_ =	sdelay $0x3  }
0x96: {  	_ =	strace s3  }
0x97: {  	_ =	strace $0x8FFFFFFF  }
0x98: {  	s19 =	sld [smem:$0x3FDB];
	_ =	sdelay $0x1  }
0x99: {  	s4 =	simm.s32 $_scs_section_size  }
0x9a: {  	s5 =	simm.s32 $_size__tile_overlayer_lowered;
	s6 =	simm.s32 $_tile_overlayer_lowered  }
0x9b: {  	s22 =	simm.s32 $0x1BFF;
	s21 =	sshll.u32 s6, $0x1;
	s3 =	sadd.s32 s4, s19  }
0x9c: {  	s7 =	simm.s32 $0x0;
	s20 =	sshll.u32 s5, $0x1;
	s5 =	sadd.s32 s21, s3  }
0x9d: {  	[timem:s7], [sflag:s22] =	dma.local [hbm:s5], s20  }
0x9e: {  	_ =	swait.ge [sflag:s22], s20  }
0x9f: {  	s4 =	ssub.s32 $0x0, s20;
	[sflag:s22] =	ssyncset.done $0x0  }
0xa0: {  	[sflag:s22] =	ssyncadd.s32 s4;
	_ =	sdelay $0x1  }
0xa1: {  	s23 =	simm.s32 $0x1B8B  }
0xa2: {  	_ =	swait.ge [sflag:s23], $0x1  }
0xa3: {  	[sflag:s23] =	ssyncset.done $0x0  }
0xa4: {  	s25 =	simm.s32 $0x1B8E;
	s24 =	sld [smem:$0x3FFE];
	[sflag:s23] =	ssyncadd.s32 $0xFFFFFFFF  }
0xa5: {  	s26 =	simm.s32 $execute0_lowered;
	[smem:$0x3FD2] =	sst s25  }
0xa6: {  	s5 =	sshll.u32 s26, $0x1;
	_ =	strace $0x80000046;
	[dreg:$0x1] =	wrdreg $0xFFFFFFFF  }
0xa7: {  	s28 =	simm.s32 $_size_execute0_lowered;
	s3 =	sadd.s32 s3, s5;
	[dreg:$0x0] =	wrdreg $0x0  }
0xa8: {  	s5 =	sshll.u32 s28, $0x1;
	[dreg:$0x2] =	wrdreg s3  }
0xa9: {  	[dreg:$0x3] =	wrdreg s5  }
0xaa: {  	[dreg:$0x4] =	wrdreg $0xC0  }
0xab: {  	_ =	task [dreg:s7], $0x5FFFF  }
0xac: {  	[dreg:$0x1] =	wrdreg $0xFFFFFFFF  }
0xad: {  	[dreg:$0x0] =	wrdreg $0x60  }
0xae: {  	[dreg:$0x2] =	wrdreg s24  }
0xaf: {  	[dreg:$0x3] =	wrdreg s2  }
0xb0: {  	[dreg:$0x4] =	wrdreg $0x9  }
0xb1: {  	_ =	task.clear_ibuf [dreg:s7], $0x5FFFF;
	_ =	strace $0x90000046  }
0xb2: {  	s29 =	simm.s32 $0x9;
	_ =	strace $0x80000048  }
0xb3: {  	_ =	swait.ge [sflag:s29], $0x1  }
0xb4: {  	[sflag:s29] =	ssyncadd.s32 $0xFFFFFFFF  }
0xb5: {  	_ =	strace $0x90000048  }
0xb6: {  	_ =	sfence  }
0xb7: {  	s30 =	sld [smem:$0x0];
	_ =	sdelay $0x2  }
0xb8: {  	s31 =	sshll.u32 s1, $0xD;
	s1 =	sshrl.u32 s1, $0x2  }
0xb9: {  	s3 =	sand.u32 $0x4000, s31;
	s1 =	sadd.s32 s1, s30  }
0xba: {  	s0 =	sor.u32 s3, s0;
	s1 =	sshll.u32 s1, $0x11  }
0xbb: {  	s0 =	sor.u32 s1, s0  }
0xbc: {  	s0 =	sadd.s32 $0x8F2B, s0  }
0xbd: {  	[sflag:s0] =	ssyncadd.remote.s32 $0x1  }
0xbe: {  	_ =	sfence.sel $0xFFFF  }
0xbf: {  	[dreg:$0x0] =	wrdreg $0xFFFFFFFF;
	(pc) =	sbr.abs _section_cstart, $3  }
0xc0: {  	[dreg:$0x1] =	wrdreg $0xFFFFFFFF  }
0xc1: {  	_ =	task.clear_ibuf [dreg:s7], $0x2FFFF;
	_ =	strace $0x9FFFFFFF  }
0xc2: {  	(tm) =	ssettm $0x7FFFFFFF  }
0xc3: {  	_ =	shalt  }
tec
execute0_lowered:
.L_overlay_start_1:
0x0: {  	(tag) =	ssettag $0x1  }
0x1: {  	s5 =	rddreg [dreg:$0x0]  }
0x2: {  	s1 =	rddreg [dreg:$0x1];
	s2 =	srdreg.scid  }
0x3: {  	s0 =	rddreg [dreg:$0x2];
	s3 =	simm.s32 $0x0;
	s10 =	simm.s32 $0x0  }
0x4: {  	s6 =	sand.u32 $0x1, s2;
	[smem:$0x7FF] =	sst s3;
	s2 =	stileid.u32  }
0x5: {  	v0 =	vlaneseq.u32;
	s4 =	sadd.s32 $0xC00, s5;
	s5 =	sadd.s32 $0x1600, s5;
	s7 =	ssub.s32 $0x2, s6  }
0x6: {  	v0 =	vmul.u32 $0x2, v0;
	_ =	strace $0x80000047;
	s9 =	sshll.u32 s2, $0x1;
	s8 =	sshrl.u32 s7, $0x1  }
0x7: {  	s6 =	sor.u32 s6, s9;
	s9 =	simm.s32 $0x5E80;
	s7 =	ssub.s32 s7, s8  }
0x8: {  	v1 =	vor.u32 $0x1, v0;
	s6 =	smul.u32 $0x19000, s6;
	s8 =	simm.s32 $0x1;
	s7 =	smax.u32 s7, $0x1  }
.LBB2_1:
0x9: {  	[tilespmem:s3], [sflag:$0x1] =	stream.linear.gather [hbm4b:s4+s3], $0x4E80, $0x38;
	[tilespmem:$0x7E80] =	vst v63  }
0xa: {  	_ =	swait.ge [sflag:s8], $0x4E80  }
0xb: {  	[sflag:s8] =	ssyncset.done $0x0  }
0xc: {  	s11 =	simm.s32 $0x0;
	[sflag:s8] =	ssyncadd.s32 $0xFFFFB180  }
.LBB2_2:
0xd: {  	s12 =	sshll.u32 s11, $0xC  }
0xe: {  	s12 =	sadd.s32 s6, s12  }
0xf: {  	s13 =	sshrl.u32 s12, $0x3  }
0x10: {  	s14 =	simm.s32 $0x4E80;
	s15 =	sadd.s32 s5, s13;
	s13 =	simm.s32 $0x0  }
0x11: {  	[tilespmem:s14], [sflag:$0x1] =	stream.linear.gather [hbm4b:s15+s13], $0x1000, $0x38;
	[tilespmem:$0x7E80] =	vst v63  }
0x12: {  	_ =	swait.ge [sflag:s8], $0x1000  }
0x13: {  	[sflag:s8] =	ssyncset.done $0x0  }
0x14: {  	[sflag:s8] =	ssyncadd.s32 $0xFFFFF000  }
0x15: {  	s15 =	simm.s32 $0x20;
	v2 =	vld [tilespmem:s14+$0x0]  }
.LBB2_3:
0x16: {  	p0 =	sne.s32 s15, $0x1FE0;
	_ =	sdelay $0x3  }
0x17: {  	v2 =	vshll.u32 v2, $0x1  }
0x18: {  	v3 =	vor.u32 $0x1, v2;
	_ =	sdelay $0x3  }
0x19: {  	v2 =	vld.idx.msk [tilespmem:v2+s3+$0x0], $0xffff  }
0x1a: {  	v4 =	vor.u32 s13, v0;
	v3 =	vld.idx.msk [tilespmem:v3+s3+$0x0], $0xffff  }
0x1b: {  	v5 =	vor.u32 s13, v1;
	s13 =	smov.u32 s15;
	_ =	sdelay $0x1  }
.Ltmp0:
0x1c: {  	(pc) =	sbr.rel @p0 .LBB2_3-.Ltmp0, $4  }
0x1d: {  	_ = 	snop  }
0x1e: {  	[tilespmem:v4+s9+$0x0] =	vst.idx.msk $0xffff, v2  }
0x1f: {  	s14 =	sadd.s32 $0x10, s14;
	[tilespmem:v5+s9+$0x0] =	vst.idx.msk $0xffff, v3  }
0x20: {  	s15 =	sadd.s32 $0x20, s15;
	v2 =	vld [tilespmem:s14+$0x0]  }
0x21: {  	_ =	sdelay $0x3  }
0x22: {  	v2 =	vshll.u32 v2, $0x1  }
0x23: {  	v3 =	vor.u32 $0x1, v2;
	_ =	sdelay $0x3  }
0x24: {  	v4 =	vor.u32 s13, v0;
	v2 =	vld.idx.msk [tilespmem:v2+s3+$0x0], $0xffff  }
0x25: {  	v5 =	vor.u32 s13, v1;
	v3 =	vld.idx.msk [tilespmem:v3+s3+$0x0], $0xffff;
	_ =	sdelay $0x2  }
0x26: {  	s11 =	sadd.s32 $0x1, s11  }
0x27: {  	s12 =	sshrl.u32 s12, $0x2;
	p0 =	sne.s32 s11, $0x19;
	[tilespmem:v4+s9+$0x0] =	vst.idx.msk $0xffff, v2  }
.Ltmp1:
0x28: {  	s12 =	sadd.s32 s1, s12;
	[tilespmem:v5+s9+$0x0] =	vst.idx.msk $0xffff, v3;
	(pc) =	sbr.rel @p0 .LBB2_2-.Ltmp1, $4  }
0x29: {  	[hbm4b:s12+s3] =	stream.linear.scatter [tilespmem:s9], [sflag:$0x1], $0x2000, $0x38;
	[tilespmem:$0x7E80] =	vst v63  }
0x2a: {  	_ =	swait.ge [sflag:s8], $0x2000  }
0x2b: {  	[sflag:s8] =	ssyncset.done $0x0  }
0x2c: {  	[sflag:s8] =	ssyncadd.s32 $0xFFFFE000  }
0x2d: {  	s10 =	sadd.s32 $0x1, s10  }
0x2e: {  	p0 =	sne.s32 s10, s7  }
.Ltmp2:
0x2f: {  	_ = 	snop;
	(pc) =	sbr.rel @p0 .LBB2_1-.Ltmp2, $1  }
0x30: {  	_ =	sdelay $0x3  }
0x31: {  	_ =	sfence.sel $0x180000  }
0x32: {  	[bflag:$0x0] =	sbarrier.arrive $0xFFFF  }
0x33: {  	p0 =	sne.s32 s2, $0x0;
	_ =	strace $0x90000047  }
0x34: {  	s0 =	sadd.s32 @!p0 $0x100000, s0;
	[bflag:$0x2] =	sbarrier.arrive $0xFFFF  }
0x35: {  	[sflag:s0] =	ssyncadd.tile.s32 @!p0 $0x1;
	_ =	shalt  }
.Lfunc_end2:
_tile_overlayer_lowered:
.L_overlay_start_2:
0x36: {  	(tag) =	ssettag $0x2  }
0x37: {  	s0 =	rddreg [dreg:$0x0];
	s2 =	stileid.u32  }
0x38: {  	s1 =	rddreg [dreg:$0x1];
	p0 =	sne.s32 s2, $0x0  }
0x39: {  	s3 =	rddreg [dreg:$0x2];
	[bflag:$0x3] =	sbarrier.arrive $0xFFFF;
	s2 =	simm.s32 @!p0 $0x1C01  }
0x3a: {  	[timem:s3], [sflag:s2] =	dma.local @!p0 [hbm:s0], s1  }
0x3b: {  	s0 =	simm.s32 @!p0 $0x1  }
0x3c: {  	_ =	swait.ge @!p0 [sflag:s0], s1  }
0x3d: {  	s1 =	ssub.s32 @!p0 $0x0, s1;
	[sflag:s0] =	ssyncset.done @!p0 $0x0  }
0x3e: {  	[sflag:s0] =	ssyncadd.s32 @!p0 s1  }
0x3f: {  	[bflag:$0x3] =	sbarrier.arrive $0xFFFF  }
0x40: {  	_ =	shalt  }

</sc_bundles>
